<compile_context>
chip_gen: v7x
topology: tpu7x:2x2x1
jax: 0.10.2.dev20260603
libtpu: 0.0.44.dev20260713+nightly
codegen_flags: <defaults>
</compile_context>

<pallas_src>
import functools

import jax
import jax.numpy as jnp
from jax import lax
from jax.experimental import pallas as pl
from jax.experimental.pallas import tpu as pltpu
from jax.experimental.pallas import tpu_sc as plsc

F = 26
B = 16384
V = 100000
NC = 2
NS = 16
L = 16
CHUNK = 2048

_mesh = plsc.VectorSubcoreMesh(
    core_axis_name="c", subcore_axis_name="s", num_cores=NC, num_subcores=NS
)


@functools.partial(
    pl.kernel,
    out_type=jax.ShapeDtypeStruct((F * B,), jnp.float32),
    mesh=_mesh,
    scratch_types=[
        pltpu.VMEM((V,), jnp.float32),
        pltpu.VMEM((CHUNK,), jnp.int32),
        pltpu.VMEM((CHUNK,), jnp.float32),
    ],
    compiler_params=pltpu.CompilerParams(
        use_tc_tiling_on_sc=False, needs_layout_passes=False
    ),
)
def _gather_fields(w_hbm, idx_hbm, part_hbm, tbl_v, idx_v, val_v):
    c = lax.axis_index("c")
    s = lax.axis_index("s")
    field = s * NC + c

    @pl.when(field < F)
    def _():
        pltpu.sync_copy(w_hbm.at[0, pl.ds(field * V, V)], tbl_v)

        def chunk_body(ci, carry):
            base = field * B + ci * CHUNK
            pltpu.sync_copy(idx_hbm.at[pl.ds(base, CHUNK)], idx_v)

            def gather_body(i, carry2):
                off = i * L
                val_v[pl.ds(off, L)] = plsc.load_gather(
                    tbl_v, [idx_v[pl.ds(off, L)]]
                )
                return carry2

            lax.fori_loop(0, CHUNK // L, gather_body, 0, unroll=8)
            pltpu.sync_copy(val_v, part_hbm.at[pl.ds(base, CHUNK)])
            return carry

        lax.fori_loop(0, B // CHUNK, chunk_body, 0)


def _finish_body(p_ref, b_ref, o_ref):
    total = jnp.sum(p_ref[...], axis=0, keepdims=True) + b_ref[...]
    o_ref[...] = jax.nn.sigmoid(total)


_finish = pl.pallas_call(
    _finish_body,
    out_shape=jax.ShapeDtypeStruct((1, B), jnp.float32),
)


VPAD = 2600960


def kernel(x, W, bias):
    idx = x.astype(jnp.int32).T.reshape(F * B)
    w_pad = jnp.pad(W, ((0, VPAD - F * V), (0, 0)))
    partials = _gather_fields(w_pad.T, idx)
    out = _finish(partials.reshape(F, B), bias.reshape(1, 1))
    return out.reshape(B)

# --- scband reference (transcript-rebuilt; emitter-appended) ---
"""Pipeline reference for scband-lrmodel-12421045420618 (READ-ONLY COPY).

The authoritative reference and input builder live on the scoring server;
editing this copy changes nothing except your own understanding.
"""

import jax, jax.numpy as jnp
import numpy as np

FIELD_DIMS = [100000] * 26
BATCH = 16384
NUM_FIELDS = len(FIELD_DIMS)
TOTAL_ROWS = int(np.sum(FIELD_DIMS))
OFFSETS = jnp.asarray(np.array((0, *np.cumsum(FIELD_DIMS)[:-1]), dtype=np.int64))


def setup_inputs(seed: int = 0) -> dict:
    key = jax.random.key(seed)
    k1, k2 = jax.random.split(key)
    x = jax.random.randint(k1, (BATCH, NUM_FIELDS), 0, 100000, dtype=jnp.int64)
    # FeaturesLinear: Embedding(sum(field_dims), 1) weight + scalar bias
    W = jax.random.normal(k2, (TOTAL_ROWS, 1), dtype=jnp.float32) * 0.01
    bias = jnp.zeros((1,), dtype=jnp.float32)
    return {"x": x, "W": W, "bias": bias}


def reference(x, W, bias):
    # FeaturesLinear.forward: x = x + offsets; fc(x).sum(dim=1) + bias -> (B, 1)
    idx = x + OFFSETS[None, :]
    emb = jnp.take(W, idx, axis=0)          # (B, F, 1)
    linear_out = jnp.sum(emb, axis=1) + bias  # (B, 1)
    # LRModel.forward: squeeze(1) then sigmoid
    return jax.nn.sigmoid(linear_out.squeeze(1))  # (B,)

if __name__ == "__main__":
    import jax
    _d = setup_inputs()
    print(jax.jit(kernel)(*tuple(_d.values())))

</pallas_src>

<mosaic_0001>
#map = affine_map<(d0, d1) -> (0, 0)>
#map1 = affine_map<(d0, d1) -> (0)>
module attributes {stable_mosaic.version = 14 : i64} {
  func.func @_gather_fields(%arg0: i32, %arg1: i32, %arg2: memref<1x2600960xf32, #tpu.memory_space<hbm>>, %arg3: memref<425984xi32, #tpu.memory_space<hbm>>, %arg4: memref<425984xf32, #tpu.memory_space<hbm>>, %arg5: memref<100000xf32, #tpu.memory_space<vmem>>, %arg6: memref<2048xi32, #tpu.memory_space<vmem>>, %arg7: memref<2048xf32, #tpu.memory_space<vmem>>) attributes {dimension_semantics = [#tpu.dimension_semantics<core_parallel>, #tpu.dimension_semantics<subcore_parallel>], iteration_bounds = array<i64: 2, 16>, scalar_prefetch = 0 : i64, scratch_operands = 3 : i64, tpu.core_type = #tpu.core_type<sc_vector_subcore>, window_params = [{transform_indices = #map}, {transform_indices = #map1}, {transform_indices = #map1}]} {
    %mul3A = arith.constant 2 : i32
    %mul3A_0 = arith.muli %arg1, %mul3A : i32
    %add3A = arith.addi %mul3A_0, %arg0 : i32
    %lt3A = arith.constant 26 : i32
    %lt3A_1 = arith.cmpi slt, %add3A, %lt3A : i32
    %convert_element_type3A = arith.extui %lt3A_1 : i1 to i32
    %cond3A = arith.constant 0 : i32
    %cond3A_2 = arith.cmpi ne, %convert_element_type3A, %cond3A : i32
    scf.if %cond3A_2 {
      %mul3A_3 = arith.constant 100000 : i32
      %mul3A_4 = arith.muli %add3A, %mul3A_3 : i32
      %run_scoped3A = arith.constant 0 : i32
      "tpu.region"() ({
        %run_scoped3A_10 = tpu.sem_alloc : memref<!tpu.dma_semaphore, #tpu.memory_space<semaphore_mem>>
        %dma_start3A = tpu.memref_slice %arg2[%run_scoped3A, %mul3A_4] : memref<1x2600960xf32, #tpu.memory_space<hbm>> -> memref<1x100000xf32, #tpu.memory_space<hbm>>
        %dma_start3A_11 = tpu.memref_squeeze %dma_start3A : memref<1x100000xf32, #tpu.memory_space<hbm>> -> memref<100000xf32, #tpu.memory_space<hbm>>
        %dma_start3A_12 = tpu.memref_slice %arg2[%run_scoped3A, %mul3A_4] : memref<1x2600960xf32, #tpu.memory_space<hbm>> -> memref<1x100000xf32, #tpu.memory_space<hbm>>
        %dma_start3A_13 = tpu.memref_squeeze %dma_start3A_12 : memref<1x100000xf32, #tpu.memory_space<hbm>> -> memref<100000xf32, #tpu.memory_space<hbm>>
        tpu.enqueue_dma source(%dma_start3A_13 : memref<100000xf32, #tpu.memory_space<hbm>>) target(%arg5 : memref<100000xf32, #tpu.memory_space<vmem>>) target_semaphore(%run_scoped3A_10 : memref<!tpu.dma_semaphore, #tpu.memory_space<semaphore_mem>>)
        %dma_wait3A = tpu.memref_slice %arg2[%run_scoped3A, %mul3A_4] : memref<1x2600960xf32, #tpu.memory_space<hbm>> -> memref<1x100000xf32, #tpu.memory_space<hbm>>
        %dma_wait3A_14 = tpu.memref_squeeze %dma_wait3A : memref<1x100000xf32, #tpu.memory_space<hbm>> -> memref<100000xf32, #tpu.memory_space<hbm>>
        %dma_wait3A_15 = tpu.memref_slice %arg2[%run_scoped3A, %mul3A_4] : memref<1x2600960xf32, #tpu.memory_space<hbm>> -> memref<1x100000xf32, #tpu.memory_space<hbm>>
        %dma_wait3A_16 = tpu.memref_squeeze %dma_wait3A_15 : memref<1x100000xf32, #tpu.memory_space<hbm>> -> memref<100000xf32, #tpu.memory_space<hbm>>
        tpu.wait_dma2 semaphore(%run_scoped3A_10 : memref<!tpu.dma_semaphore, #tpu.memory_space<semaphore_mem>>) src(%dma_wait3A_16 : memref<100000xf32, #tpu.memory_space<hbm>>) dst(%arg5 : memref<100000xf32, #tpu.memory_space<vmem>>)
        tpu.yield
      }) : () -> ()
      %scan3A = arith.constant 0 : i32
      %scan3A_5 = arith.constant 0 : i32
      %scan3A_6 = arith.constant 8 : i32
      %scan3A_7 = arith.addi %scan3A_5, %scan3A_6 : i32
      %scan3A_8 = arith.constant 1 : i32
      scf.for %scan3A_10 = %scan3A_5 to %scan3A_7 step %scan3A_8  : i32 {
        %mul3A_11 = arith.constant 16384 : i32
        %mul3A_12 = arith.muli %add3A, %mul3A_11 : i32
        %mul3A_13 = arith.constant 2048 : i32
        %mul3A_14 = arith.muli %scan3A_10, %mul3A_13 : i32
        %add3A_15 = arith.addi %mul3A_12, %mul3A_14 : i32
        "tpu.region"() ({
          %run_scoped3A_22 = tpu.sem_alloc : memref<!tpu.dma_semaphore, #tpu.memory_space<semaphore_mem>>
          %dma_start3A = tpu.memref_slice %arg3[%add3A_15] : memref<425984xi32, #tpu.memory_space<hbm>> -> memref<2048xi32, #tpu.memory_space<hbm>>
          %dma_start3A_23 = tpu.memref_slice %arg3[%add3A_15] : memref<425984xi32, #tpu.memory_space<hbm>> -> memref<2048xi32, #tpu.memory_space<hbm>>
          tpu.enqueue_dma source(%dma_start3A_23 : memref<2048xi32, #tpu.memory_space<hbm>>) target(%arg6 : memref<2048xi32, #tpu.memory_space<vmem>>) target_semaphore(%run_scoped3A_22 : memref<!tpu.dma_semaphore, #tpu.memory_space<semaphore_mem>>)
          %dma_wait3A = tpu.memref_slice %arg3[%add3A_15] : memref<425984xi32, #tpu.memory_space<hbm>> -> memref<2048xi32, #tpu.memory_space<hbm>>
          %dma_wait3A_24 = tpu.memref_slice %arg3[%add3A_15] : memref<425984xi32, #tpu.memory_space<hbm>> -> memref<2048xi32, #tpu.memory_space<hbm>>
          tpu.wait_dma2 semaphore(%run_scoped3A_22 : memref<!tpu.dma_semaphore, #tpu.memory_space<semaphore_mem>>) src(%dma_wait3A_24 : memref<2048xi32, #tpu.memory_space<hbm>>) dst(%arg6 : memref<2048xi32, #tpu.memory_space<vmem>>)
          tpu.yield
        }) : () -> ()
        %scan3A_16 = arith.constant 0 : i32
        %scan3A_17 = arith.constant 0 : i32
        %scan3A_18 = arith.constant 128 : i32
        %scan3A_19 = arith.addi %scan3A_17, %scan3A_18 : i32
        %scan3A_20 = arith.constant 8 : i32
        scf.for %scan3A_22 = %scan3A_17 to %scan3A_19 step %scan3A_20  : i32 {
          %mul3A_23 = arith.constant 16 : i32
          %mul3A_24 = arith.muli %scan3A_22, %mul3A_23 : i32
          %get3A = arith.index_cast %mul3A_24 : i32 to index
          %get3A_25 = tpu.vector_load %arg6[%get3A] {strides = array<i32>} : memref<2048xi32, #tpu.memory_space<vmem>>, vector<16xi32>,
          %gather3A = tpu.vector_load_idx %arg5[%get3A_25] : memref<100000xf32, #tpu.memory_space<vmem>>[vector<16xi32>], vector<16xf32>,
          %swap3A = arith.index_cast %mul3A_24 : i32 to index
          %swap3A_26 = tpu.vector_load %arg7[%swap3A] {strides = array<i32>} : memref<2048xf32, #tpu.memory_space<vmem>>, vector<16xf32>,
          tpu.vector_store %arg7[%swap3A], %gather3A {strides = array<i32>} : memref<2048xf32, #tpu.memory_space<vmem>>, vector<16xf32>,
          %scan3A_27 = arith.constant 1 : i32
          %scan3A_28 = arith.addi %scan3A_22, %scan3A_27 : i32
          %mul3A_29 = arith.constant 16 : i32
          %mul3A_30 = arith.muli %scan3A_28, %mul3A_29 : i32
          %get3A_31 = arith.index_cast %mul3A_30 : i32 to index
          %get3A_32 = tpu.vector_load %arg6[%get3A_31] {strides = array<i32>} : memref<2048xi32, #tpu.memory_space<vmem>>, vector<16xi32>,
          %gather3A_33 = tpu.vector_load_idx %arg5[%get3A_32] : memref<100000xf32, #tpu.memory_space<vmem>>[vector<16xi32>], vector<16xf32>,
          %swap3A_34 = arith.index_cast %mul3A_30 : i32 to index
          %swap3A_35 = tpu.vector_load %arg7[%swap3A_34] {strides = array<i32>} : memref<2048xf32, #tpu.memory_space<vmem>>, vector<16xf32>,
          tpu.vector_store %arg7[%swap3A_34], %gather3A_33 {strides = array<i32>} : memref<2048xf32, #tpu.memory_space<vmem>>, vector<16xf32>,
          %scan3A_36 = arith.constant 2 : i32
          %scan3A_37 = arith.addi %scan3A_22, %scan3A_36 : i32
          %mul3A_38 = arith.constant 16 : i32
          %mul3A_39 = arith.muli %scan3A_37, %mul3A_38 : i32
          %get3A_40 = arith.index_cast %mul3A_39 : i32 to index
          %get3A_41 = tpu.vector_load %arg6[%get3A_40] {strides = array<i32>} : memref<2048xi32, #tpu.memory_space<vmem>>, vector<16xi32>,
          %gather3A_42 = tpu.vector_load_idx %arg5[%get3A_41] : memref<100000xf32, #tpu.memory_space<vmem>>[vector<16xi32>], vector<16xf32>,
          %swap3A_43 = arith.index_cast %mul3A_39 : i32 to index
          %swap3A_44 = tpu.vector_load %arg7[%swap3A_43] {strides = array<i32>} : memref<2048xf32, #tpu.memory_space<vmem>>, vector<16xf32>,
          tpu.vector_store %arg7[%swap3A_43], %gather3A_42 {strides = array<i32>} : memref<2048xf32, #tpu.memory_space<vmem>>, vector<16xf32>,
          %scan3A_45 = arith.constant 3 : i32
          %scan3A_46 = arith.addi %scan3A_22, %scan3A_45 : i32
          %mul3A_47 = arith.constant 16 : i32
          %mul3A_48 = arith.muli %scan3A_46, %mul3A_47 : i32
          %get3A_49 = arith.index_cast %mul3A_48 : i32 to index
          %get3A_50 = tpu.vector_load %arg6[%get3A_49] {strides = array<i32>} : memref<2048xi32, #tpu.memory_space<vmem>>, vector<16xi32>,
          %gather3A_51 = tpu.vector_load_idx %arg5[%get3A_50] : memref<100000xf32, #tpu.memory_space<vmem>>[vector<16xi32>], vector<16xf32>,
          %swap3A_52 = arith.index_cast %mul3A_48 : i32 to index
          %swap3A_53 = tpu.vector_load %arg7[%swap3A_52] {strides = array<i32>} : memref<2048xf32, #tpu.memory_space<vmem>>, vector<16xf32>,
          tpu.vector_store %arg7[%swap3A_52], %gather3A_51 {strides = array<i32>} : memref<2048xf32, #tpu.memory_space<vmem>>, vector<16xf32>,
          %scan3A_54 = arith.constant 4 : i32
          %scan3A_55 = arith.addi %scan3A_22, %scan3A_54 : i32
          %mul3A_56 = arith.constant 16 : i32
          %mul3A_57 = arith.muli %scan3A_55, %mul3A_56 : i32
          %get3A_58 = arith.index_cast %mul3A_57 : i32 to index
          %get3A_59 = tpu.vector_load %arg6[%get3A_58] {strides = array<i32>} : memref<2048xi32, #tpu.memory_space<vmem>>, vector<16xi32>,
          %gather3A_60 = tpu.vector_load_idx %arg5[%get3A_59] : memref<100000xf32, #tpu.memory_space<vmem>>[vector<16xi32>], vector<16xf32>,
          %swap3A_61 = arith.index_cast %mul3A_57 : i32 to index
          %swap3A_62 = tpu.vector_load %arg7[%swap3A_61] {strides = array<i32>} : memref<2048xf32, #tpu.memory_space<vmem>>, vector<16xf32>,
          tpu.vector_store %arg7[%swap3A_61], %gather3A_60 {strides = array<i32>} : memref<2048xf32, #tpu.memory_space<vmem>>, vector<16xf32>,
          %scan3A_63 = arith.constant 5 : i32
          %scan3A_64 = arith.addi %scan3A_22, %scan3A_63 : i32
          %mul3A_65 = arith.constant 16 : i32
          %mul3A_66 = arith.muli %scan3A_64, %mul3A_65 : i32
          %get3A_67 = arith.index_cast %mul3A_66 : i32 to index
          %get3A_68 = tpu.vector_load %arg6[%get3A_67] {strides = array<i32>} : memref<2048xi32, #tpu.memory_space<vmem>>, vector<16xi32>,
          %gather3A_69 = tpu.vector_load_idx %arg5[%get3A_68] : memref<100000xf32, #tpu.memory_space<vmem>>[vector<16xi32>], vector<16xf32>,
          %swap3A_70 = arith.index_cast %mul3A_66 : i32 to index
          %swap3A_71 = tpu.vector_load %arg7[%swap3A_70] {strides = array<i32>} : memref<2048xf32, #tpu.memory_space<vmem>>, vector<16xf32>,
          tpu.vector_store %arg7[%swap3A_70], %gather3A_69 {strides = array<i32>} : memref<2048xf32, #tpu.memory_space<vmem>>, vector<16xf32>,
          %scan3A_72 = arith.constant 6 : i32
          %scan3A_73 = arith.addi %scan3A_22, %scan3A_72 : i32
          %mul3A_74 = arith.constant 16 : i32
          %mul3A_75 = arith.muli %scan3A_73, %mul3A_74 : i32
          %get3A_76 = arith.index_cast %mul3A_75 : i32 to index
          %get3A_77 = tpu.vector_load %arg6[%get3A_76] {strides = array<i32>} : memref<2048xi32, #tpu.memory_space<vmem>>, vector<16xi32>,
          %gather3A_78 = tpu.vector_load_idx %arg5[%get3A_77] : memref<100000xf32, #tpu.memory_space<vmem>>[vector<16xi32>], vector<16xf32>,
          %swap3A_79 = arith.index_cast %mul3A_75 : i32 to index
          %swap3A_80 = tpu.vector_load %arg7[%swap3A_79] {strides = array<i32>} : memref<2048xf32, #tpu.memory_space<vmem>>, vector<16xf32>,
          tpu.vector_store %arg7[%swap3A_79], %gather3A_78 {strides = array<i32>} : memref<2048xf32, #tpu.memory_space<vmem>>, vector<16xf32>,
          %scan3A_81 = arith.constant 7 : i32
          %scan3A_82 = arith.addi %scan3A_22, %scan3A_81 : i32
          %mul3A_83 = arith.constant 16 : i32
          %mul3A_84 = arith.muli %scan3A_82, %mul3A_83 : i32
          %get3A_85 = arith.index_cast %mul3A_84 : i32 to index
          %get3A_86 = tpu.vector_load %arg6[%get3A_85] {strides = array<i32>} : memref<2048xi32, #tpu.memory_space<vmem>>, vector<16xi32>,
          %gather3A_87 = tpu.vector_load_idx %arg5[%get3A_86] : memref<100000xf32, #tpu.memory_space<vmem>>[vector<16xi32>], vector<16xf32>,
          %swap3A_88 = arith.index_cast %mul3A_84 : i32 to index
          %swap3A_89 = tpu.vector_load %arg7[%swap3A_88] {strides = array<i32>} : memref<2048xf32, #tpu.memory_space<vmem>>, vector<16xf32>,
          tpu.vector_store %arg7[%swap3A_88], %gather3A_87 {strides = array<i32>} : memref<2048xf32, #tpu.memory_space<vmem>>, vector<16xf32>,
        }
        %scan3A_21 = arith.constant 128 : i32
        "tpu.region"() ({
          %run_scoped3A_22 = tpu.sem_alloc : memref<!tpu.dma_semaphore, #tpu.memory_space<semaphore_mem>>
          %dma_start3A = tpu.memref_slice %arg4[%add3A_15] : memref<425984xf32, #tpu.memory_space<hbm>> -> memref<2048xf32, #tpu.memory_space<hbm>>
          %dma_start3A_23 = tpu.memref_slice %arg4[%add3A_15] : memref<425984xf32, #tpu.memory_space<hbm>> -> memref<2048xf32, #tpu.memory_space<hbm>>
          tpu.enqueue_dma source(%arg7 : memref<2048xf32, #tpu.memory_space<vmem>>) target(%dma_start3A_23 : memref<2048xf32, #tpu.memory_space<hbm>>) target_semaphore(%run_scoped3A_22 : memref<!tpu.dma_semaphore, #tpu.memory_space<semaphore_mem>>)
          %dma_wait3A = tpu.memref_slice %arg4[%add3A_15] : memref<425984xf32, #tpu.memory_space<hbm>> -> memref<2048xf32, #tpu.memory_space<hbm>>
          %dma_wait3A_24 = tpu.memref_slice %arg4[%add3A_15] : memref<425984xf32, #tpu.memory_space<hbm>> -> memref<2048xf32, #tpu.memory_space<hbm>>
          tpu.wait_dma2 semaphore(%run_scoped3A_22 : memref<!tpu.dma_semaphore, #tpu.memory_space<semaphore_mem>>) src(%arg7 : memref<2048xf32, #tpu.memory_space<vmem>>) dst(%dma_wait3A_24 : memref<2048xf32, #tpu.memory_space<hbm>>)
          tpu.yield
        }) : () -> ()
      }
      %scan3A_9 = arith.constant 8 : i32
    } else {
    }
    return
  }
}

module attributes {stable_mosaic.version = 14 : i64} {
  func.func @_finish_body(%arg0: memref<26x16384xf32, #tpu.memory_space<vmem>>, %arg1: memref<1x1xf32, #tpu.memory_space<vmem>>, %arg2: memref<1x16384xf32, #tpu.memory_space<vmem>>) attributes {dimension_semantics = [], scalar_prefetch = 0 : i64, scratch_operands = 0 : i64, tpu.core_type = #tpu.core_type<tc>} {
    %get3A = arith.constant 0 : index
    %get3A_0 = arith.constant 0 : index
    %get3A_1 = vector.load %arg0[%get3A, %get3A_0] : memref<26x16384xf32, #tpu.memory_space<vmem>>, vector<26x16384xf32>
    %reduce_sum3A = arith.constant dense<0.000000e+00> : vector<16384xf32>
    %reduce_sum3A_2 = vector.multi_reduction <add>, %get3A_1, %reduce_sum3A [0] : vector<26x16384xf32> to vector<16384xf32>
    %broadcast_in_dim3A = vector.shape_cast %reduce_sum3A_2 : vector<16384xf32> to vector<1x16384xf32>
    %get3A_3 = arith.constant 0 : index
    %get3A_4 = arith.constant 0 : index
    %get3A_5 = vector.load %arg1[%get3A_3, %get3A_4] : memref<1x1xf32, #tpu.memory_space<vmem>>, vector<1x1xf32>
    %add3A = vector.broadcast %get3A_5 : vector<1x1xf32> to vector<1x16384xf32>
    %add3A_6 = arith.addf %broadcast_in_dim3A, %add3A : vector<1x16384xf32>
    %logistic3A = arith.negf %add3A_6 : vector<1x16384xf32>
    %logistic3A_7 = math.exp %logistic3A : vector<1x16384xf32>
    %logistic3A_8 = arith.constant 1.000000e+00 : f32
    %logistic3A_9 = vector.broadcast %logistic3A_8 : f32 to vector<1x16384xf32>
    %logistic3A_10 = arith.addf %logistic3A_9, %logistic3A_7 : vector<1x16384xf32>
    %logistic3A_11 = arith.divf %logistic3A_9, %logistic3A_10 : vector<1x16384xf32>
    %swap3A = arith.constant 0 : index
    %swap3A_12 = arith.constant 0 : index
    %swap3A_13 = vector.load %arg2[%swap3A, %swap3A_12] : memref<1x16384xf32, #tpu.memory_space<vmem>>, vector<1x16384xf32>
    tpu.vector_store %arg2[%swap3A, %swap3A_12], %logistic3A_11 {strides = array<i32>} : memref<1x16384xf32, #tpu.memory_space<vmem>>, vector<1x16384xf32>,
    return
  }
}

</mosaic_0001>

<sc_bundles>
// kernel: kernel.4.cloned.1.call-start
scs
__scs_entry_jumppad:
0x0: {  	(pc) =	sbr.rel $0x88, $3  }
0x1: {  	(tag) =	ssettag $0x0;
	lr =	simm.s32 $0x1  }
0x2: {  	[smem:$0x3F9E] =	sst lr;
	_ =	strace $0xD0000000  }
0x3: {  	_ = 	snop  }
0x4: {  	_ = 	snop  }
0x5: {  	_ = 	snop  }
0x6: {  	_ = 	snop  }
0x7: {  	_ = 	snop  }
__scs_overlays_trampoline_lowered:
0x8: {  	[smem:$0x3FAD] =	sst s0  }
0x9: {  	[smem:$0x3FAE] =	sst s1  }
0xa: {  	[smem:$0x3FAF] =	sst s2  }
0xb: {  	[smem:$0x3FB0] =	sst s3  }
0xc: {  	[smem:$0x3FB1] =	sst s4  }
0xd: {  	[smem:$0x3FB2] =	sst s5  }
0xe: {  	[smem:$0x3FB3] =	sst s6  }
0xf: {  	[smem:$0x3FB4] =	sst s7  }
0x10: {  	[smem:$0x3FB5] =	sst s8  }
0x11: {  	[smem:$0x3FB6] =	sst s9;
	s0 =	simm.s32 @!p0 $0x0  }
0x12: {  	s1 =	sld [smem:$0x3F9C];
	s0 =	simm.s32 @p0 $0x1  }
0x13: {  	[smem:$0x3FB7] =	sst s0;
	s0 =	simm.s32 @!p1 $0x0  }
0x14: {  	s2 =	sld [smem:$0x3F9B];
	s0 =	simm.s32 @p1 $0x1  }
0x15: {  	[smem:$0x3FB8] =	sst s0;
	s0 =	simm.s32 @!p2 $0x0  }
0x16: {  	s3 =	sld [smem:$0x3FDB];
	s0 =	simm.s32 @p2 $0x1  }
0x17: {  	s4 =	simm.s32 $0x1BF5;
	[smem:$0x3FBA] =	sst s0  }
0x18: {  	s0 =	sld [smem:$0x3F9D];
	_ =	swait.ge [sflag:s4], $0x0  }
0x19: {  	s7 =	sld [smem:$0x3F9E]  }
0x1a: {  	s8 =	sadd.s32 $0xFFFFE003, lr  }
0x1b: {  	s9 =	sadd.s32 $0xFFFFFEF7, lr;
	s5 =	simm.s32 $0xFFFFFFFF;
	p2 =	slt.u32 s8, $0xFFFFF086  }
0x1c: {  	p1 =	slt.u32 s9, $0xF7A;
	s5 =	simm.s32 @!p2 $0x0  }
0x1d: {  	s5 =	simm.s32 @p1 $0x1;
	p0 =	seq.s32 s7, s2  }
0x1e: {  	s7 =	smul.u32 @!p0 $0xF7A, s2;
	p2 =	seq.s32 @!p0 s5, $0x0  }
0x1f: {  	s9 =	smul.u32 $0xF7A, s1;
	s8 =	simm.s32 @!p0 $0x1BF5;
	p2 =	por !p2, p0  }
0x20: {  	[sflag:s8] =	ssyncset.s32 @!p0 $0xFFFFF086;
	s6 =	sadd.s32 @!p0 s3, s7;
	s7 =	simm.s32 @!p0 $0x108  }
0x21: {  	s3 =	sadd.s32 s3, s9;
	s6 =	sadd.s32 @!p0 $0x88, s6;
	s7 =	simm.s32 @p2 $0x1082  }
0x22: {  	[simem:s7], [sflag:s8] =	dma.local @!p0 [hbm:s6], $0xF7A  }
0x23: {  	s9 =	sor.u32 $0xD0000000, s2;
	s6 =	simm.s32 $0x108;
	_ =	swait.ge @!p0 [sflag:s8], $0x0  }
0x24: {  	s3 =	sadd.s32 $0x88, s3;
	s6 =	simm.s32 @!p1 $0x1082;
	[sflag:s4] =	ssyncset.s32 $0xFFFFF086  }
0x25: {  	[simem:s6], [sflag:s4] =	dma.local [hbm:s3], $0xF7A  }
0x26: {  	[smem:$0x3F9E] =	sst s1;
	(tag) =	ssettag s2;
	_ =	strace s9  }
0x27: {  	s1 =	sld [smem:$0x3FAE]  }
0x28: {  	s2 =	sld [smem:$0x3FAF]  }
0x29: {  	s4 =	sld [smem:$0x3FB1]  }
0x2a: {  	p0 =	seq.s32 s5, $0x0;
	s5 =	sld [smem:$0x3FB2]  }
0x2b: {  	s6 =	sld [smem:$0x3FB3]  }
0x2c: {  	s7 =	sld [smem:$0x3FB4]  }
0x2d: {  	s3 =	simm.s32 $0x108;
	s8 =	sld [smem:$0x3FB5]  }
0x2e: {  	s3 =	simm.s32 @!p0 $0x1082;
	s9 =	sld [smem:$0x3FB6]  }
0x2f: {  	lr =	sadd.s32 s0, s3;
	s0 =	sld [smem:$0x3FAD]  }
0x30: {  	s3 =	sld [smem:$0x3FB0]  }
0x31: {  	[smem:$0x3FB9] =	sst s10  }
0x32: {  	s10 =	sld [smem:$0x3FB7];
	_ =	sdelay $0x3  }
0x33: {  	p0 =	seq.s32 s10, $0x1;
	s10 =	sld [smem:$0x3FB9];
	_ =	sdelay $0x3  }
0x34: {  	[smem:$0x3FB9] =	sst s10  }
0x35: {  	s10 =	sld [smem:$0x3FB8];
	_ =	sdelay $0x3  }
0x36: {  	p1 =	seq.s32 s10, $0x1;
	s10 =	sld [smem:$0x3FB9];
	_ =	sdelay $0x3  }
0x37: {  	[smem:$0x3FB9] =	sst s10  }
0x38: {  	s10 =	sld [smem:$0x3FBA]  }
0x39: {  	_ = 	snop;
	(pc) =	sbr.ind lr, $3  }
0x3a: {  	_ = 	snop  }
0x3b: {  	_ = 	snop  }
0x3c: {  	p2 =	seq.s32 s10, $0x1;
	s10 =	sld [smem:$0x3FB9]  }
0x3d: {  	_ =	shalt  }
0x3e: {  	_ =	shalt  }
0x3f: {  	_ =	shalt  }
0x40: {  	_ =	shalt  }
0x41: {  	_ =	shalt  }
0x42: {  	_ =	shalt  }
0x43: {  	_ =	shalt  }
0x44: {  	_ =	shalt  }
0x45: {  	_ =	shalt  }
0x46: {  	_ =	shalt  }
0x47: {  	_ =	shalt  }
0x48: {  	_ =	shalt  }
0x49: {  	_ =	shalt  }
0x4a: {  	_ =	shalt  }
0x4b: {  	_ =	shalt  }
0x4c: {  	_ =	shalt  }
0x4d: {  	_ =	shalt  }
0x4e: {  	_ =	shalt  }
0x4f: {  	_ =	shalt  }
0x50: {  	_ =	shalt  }
0x51: {  	_ =	shalt  }
0x52: {  	_ =	shalt  }
0x53: {  	_ =	shalt  }
0x54: {  	_ =	shalt  }
0x55: {  	_ =	shalt  }
0x56: {  	_ =	shalt  }
0x57: {  	_ =	shalt  }
0x58: {  	_ =	shalt  }
0x59: {  	_ =	shalt  }
0x5a: {  	_ =	shalt  }
0x5b: {  	_ =	shalt  }
0x5c: {  	_ =	shalt  }
0x5d: {  	_ =	shalt  }
0x5e: {  	_ =	shalt  }
0x5f: {  	_ =	shalt  }
0x60: {  	_ =	shalt  }
0x61: {  	_ =	shalt  }
0x62: {  	_ =	shalt  }
0x63: {  	_ =	shalt  }
0x64: {  	_ =	shalt  }
0x65: {  	_ =	shalt  }
0x66: {  	_ =	shalt  }
0x67: {  	_ =	shalt  }
0x68: {  	_ =	shalt  }
0x69: {  	_ =	shalt  }
0x6a: {  	_ =	shalt  }
0x6b: {  	_ =	shalt  }
0x6c: {  	_ =	shalt  }
0x6d: {  	_ =	shalt  }
0x6e: {  	_ =	shalt  }
0x6f: {  	_ =	shalt  }
0x70: {  	_ =	shalt  }
0x71: {  	_ =	shalt  }
0x72: {  	_ =	shalt  }
0x73: {  	_ =	shalt  }
0x74: {  	_ =	shalt  }
0x75: {  	_ =	shalt  }
0x76: {  	_ =	shalt  }
0x77: {  	_ =	shalt  }
0x78: {  	_ =	shalt  }
0x79: {  	_ =	shalt  }
0x7a: {  	_ =	shalt  }
0x7b: {  	_ =	shalt  }
0x7c: {  	_ =	shalt  }
0x7d: {  	_ =	shalt  }
0x7e: {  	_ =	shalt  }
0x7f: {  	_ =	shalt  }
0x80: {  	_ =	shalt  }
0x81: {  	_ =	shalt  }
0x82: {  	_ =	shalt  }
0x83: {  	_ =	shalt  }
0x84: {  	_ =	shalt  }
0x85: {  	_ =	shalt  }
0x86: {  	_ =	shalt  }
0x87: {  	_ =	shalt  }
.Lfunc_end0:
.L_simem_size_0:
called_computation_lowered:
.L_overlay_start_0:
0x88: {  	s2 =	sld [smem:$0x3FD9]  }
0x89: {  	s3 =	sld [smem:$0x3FFE];
	_ =	sdelay $0x1  }
0x8a: {  	s1 =	srdreg.scid  }
0x8b: {  	s0 =	sand.u32 $0x1, s1  }
0x8c: {  	s16 =	sshll.u32 s0, $0xA;
	s2 =	sadd.s32 s3, s2  }
0x8d: {  	s2 =	sadd.s32 s2, s16  }
0x8e: {  	[smem:$0x3FC5] =	sst s2  }
0x8f: {  	_ = 	snop  }
0x90: {  	(tm) =	ssettm $0x1  }
0x91: {  	s17 =	sld [smem:$0x3FFB];
	_ =	sdelay $0x3  }
0x92: {  	_ =	strace s17  }
0x93: {  	s2 =	sld [smem:$0x3FFC];
	_ =	sdelay $0x3  }
0x94: {  	_ =	strace s2  }
0x95: {  	s2 =	sld [smem:$0x3FFD];
	_ =	sdelay $0x3  }
0x96: {  	_ =	strace s2  }
0x97: {  	_ =	strace $0x8FFFFFFF  }
0x98: {  	s18 =	sld [smem:$0x3FDB];
	_ =	sdelay $0x1  }
0x99: {  	s19 =	simm.s32 $_scs_section_size  }
0x9a: {  	s4 =	simm.s32 $_size__tile_overlayer_lowered;
	s5 =	simm.s32 $_tile_overlayer_lowered  }
0x9b: {  	s22 =	simm.s32 $0x1BFF;
	s21 =	sshll.u32 s5, $0x1;
	s2 =	sadd.s32 s19, s18  }
0x9c: {  	s6 =	simm.s32 $0x0;
	s20 =	sshll.u32 s4, $0x1;
	s4 =	sadd.s32 s21, s2  }
0x9d: {  	[timem:s6], [sflag:s22] =	dma.local [hbm:s4], s20  }
0x9e: {  	_ =	swait.ge [sflag:s22], s20  }
0x9f: {  	s3 =	ssub.s32 $0x0, s20;
	[sflag:s22] =	ssyncset.done $0x0  }
0xa0: {  	[sflag:s22] =	ssyncadd.s32 s3;
	_ =	sdelay $0x1  }
0xa1: {  	s23 =	simm.s32 $0x1B8B  }
0xa2: {  	_ =	swait.ge [sflag:s23], $0x1  }
0xa3: {  	[sflag:s23] =	ssyncset.done $0x0  }
0xa4: {  	s25 =	simm.s32 $0x1B8E;
	s24 =	sld [smem:$0x3FFE];
	[sflag:s23] =	ssyncadd.s32 $0xFFFFFFFF  }
0xa5: {  	s26 =	simm.s32 $execute0_lowered;
	[smem:$0x3FD2] =	sst s25  }
0xa6: {  	s4 =	sshll.u32 s26, $0x1;
	_ =	strace $0x80000046;
	[dreg:$0x1] =	wrdreg $0xFFFFFFFF  }
0xa7: {  	s28 =	simm.s32 $_size_execute0_lowered;
	s2 =	sadd.s32 s2, s4;
	[dreg:$0x0] =	wrdreg $0x0  }
0xa8: {  	s4 =	sshll.u32 s28, $0x1;
	[dreg:$0x2] =	wrdreg s2  }
0xa9: {  	[dreg:$0x3] =	wrdreg s4  }
0xaa: {  	[dreg:$0x4] =	wrdreg $0xC0  }
0xab: {  	_ =	task [dreg:s6], $0x5FFFF  }
0xac: {  	[dreg:$0x1] =	wrdreg $0xFFFFFFFF  }
0xad: {  	[dreg:$0x0] =	wrdreg $0x60  }
0xae: {  	[dreg:$0x2] =	wrdreg s24  }
0xaf: {  	[dreg:$0x3] =	wrdreg $0x9  }
0xb0: {  	_ =	task.clear_ibuf [dreg:s6], $0x4FFFF;
	_ =	strace $0x90000046  }
0xb1: {  	s29 =	simm.s32 $0x9;
	_ =	strace $0x80000048  }
0xb2: {  	_ =	swait.ge [sflag:s29], $0x1  }
0xb3: {  	[sflag:s29] =	ssyncadd.s32 $0xFFFFFFFF  }
0xb4: {  	_ =	strace $0x90000048  }
0xb5: {  	_ =	sfence  }
0xb6: {  	s30 =	sld [smem:$0x0];
	_ =	sdelay $0x2  }
0xb7: {  	s31 =	sshll.u32 s1, $0xD;
	s1 =	sshrl.u32 s1, $0x2  }
0xb8: {  	s3 =	sand.u32 $0x4000, s31;
	s1 =	sadd.s32 s1, s30  }
0xb9: {  	s0 =	sor.u32 s3, s0;
	s1 =	sshll.u32 s1, $0x11  }
0xba: {  	s0 =	sor.u32 s1, s0  }
0xbb: {  	s0 =	sadd.s32 $0x8F2B, s0  }
0xbc: {  	[sflag:s0] =	ssyncadd.remote.s32 $0x1  }
0xbd: {  	_ =	sfence.sel $0xFFFF  }
0xbe: {  	[dreg:$0x0] =	wrdreg $0xFFFFFFFF;
	(pc) =	sbr.abs _section_cstart, $3  }
0xbf: {  	[dreg:$0x1] =	wrdreg $0xFFFFFFFF  }
0xc0: {  	_ =	task.clear_ibuf [dreg:s6], $0x2FFFF;
	_ =	strace $0x9FFFFFFF  }
0xc1: {  	(tm) =	ssettm $0x7FFFFFFF  }
tec
execute0_lowered:
.L_overlay_start_1:
0x0: {  	(tag) =	ssettag $0x1  }
0x1: {  	s1 =	stileid.u32  }
0x2: {  	p0 =	sgt.u32 s1, $0xC  }
.Ltmp0:
0x3: {  	_ = 	snop;
	(pc) =	sbr.rel @p0 .LBB2_7-.Ltmp0, $4  }
0x4: {  	_ = 	snop  }
0x5: {  	s4 =	rddreg [dreg:$0x0];
	s2 =	simm.s32 $0x0  }
0x6: {  	[smem:$0x7FF] =	sst s2  }
0x7: {  	s0 =	rddreg [dreg:$0x1];
	_ =	strace $0x80000047  }
0x8: {  	s3 =	srdreg.scid;
	s5 =	sshll.u32 s1, $0x1;
	s6 =	sadd.s32 $0xD400, s4  }
0x9: {  	s10 =	simm.s32 $0x18EA0;
	s11 =	simm.s32 $0x0;
	s3 =	sand.u32 $0x1, s3  }
0xa: {  	s5 =	sor.u32 s3, s5;
	s7 =	ssub.s32 $0x2, s3;
	s3 =	sadd.s32 $0x400, s4  }
0xb: {  	s4 =	sadd.s32 $0x5CA00, s4;
	s8 =	sshrl.u32 s7, $0x1;
	s9 =	smul.u32 $0x30D4, s5  }
0xc: {  	s5 =	sshll.u32 s5, $0xB;
	s7 =	ssub.s32 s7, s8;
	s8 =	simm.s32 $0x1  }
0xd: {  	s6 =	sadd.s32 s6, s9;
	s7 =	smax.u32 s7, $0x1;
	s9 =	simm.s32 $0x186A0  }
.LBB2_2:
0xe: {  	s12 =	simm.s32 $0x0  }
0xf: {  	[tilespmem:s12], [sflag:$0x1] =	stream.linear.gather [hbm4b:s6+s12], $0x186A0, $0x38;
	[tilespmem:$0x196A0] =	vst v63  }
0x10: {  	_ =	swait.ge [sflag:s8], $0x186A0  }
0x11: {  	[sflag:s8] =	ssyncset.done $0x0  }
0x12: {  	[sflag:s8] =	ssyncadd.s32 $0xFFFE7960  }
.LBB2_3:
0x13: {  	s13 =	sshll.u32 s12, $0x8  }
0x14: {  	s13 =	sadd.s32 s5, s13  }
0x15: {  	s14 =	sadd.s32 s3, s13  }
0x16: {  	[tilespmem:s9], [sflag:$0x1] =	stream.linear.gather [hbm4b:s14+s2], $0x800, $0x38;
	[tilespmem:$0x196A0] =	vst v63  }
0x17: {  	_ =	swait.ge [sflag:s8], $0x800  }
0x18: {  	s15 =	simm.s32 $0x186E0;
	[sflag:s8] =	ssyncset.done $0x0  }
0x19: {  	s16 =	simm.s32 $0x18EE0;
	s14 =	simm.s32 $0xFFFFFFF8;
	[sflag:s8] =	ssyncadd.s32 $0xFFFFF800  }
.LBB2_4:
0x1a: {  	v0 =	vld [tilespmem:s15+$0xFFFFFFC0];
	_ =	sdelay $0x7  }
0x1b: {  	v0 =	vld.idx.msk [tilespmem:v0+s2+$0x0], $0xffff;
	_ =	sdelay $0x4  }
0x1c: {  	[tilespmem:s16+$0xFFFFFFC0] =	vst v0  }
0x1d: {  	v0 =	vld [tilespmem:s15+$0xFFFFFFD0];
	_ =	sdelay $0x7  }
0x1e: {  	v0 =	vld.idx.msk [tilespmem:v0+s2+$0x0], $0xffff;
	_ =	sdelay $0x4  }
0x1f: {  	[tilespmem:s16+$0xFFFFFFD0] =	vst v0  }
0x20: {  	v0 =	vld [tilespmem:s15+$0xFFFFFFE0];
	_ =	sdelay $0x7  }
0x21: {  	v0 =	vld.idx.msk [tilespmem:v0+s2+$0x0], $0xffff;
	_ =	sdelay $0x4  }
0x22: {  	[tilespmem:s16+$0xFFFFFFE0] =	vst v0  }
0x23: {  	v0 =	vld [tilespmem:s15+$0xFFFFFFF0];
	_ =	sdelay $0x7  }
0x24: {  	v0 =	vld.idx.msk [tilespmem:v0+s2+$0x0], $0xffff;
	_ =	sdelay $0x4  }
0x25: {  	[tilespmem:s16+$0xFFFFFFF0] =	vst v0  }
0x26: {  	v0 =	vld [tilespmem:s15+$0x0];
	_ =	sdelay $0x7  }
0x27: {  	v0 =	vld.idx.msk [tilespmem:v0+s2+$0x0], $0xffff;
	_ =	sdelay $0x4  }
0x28: {  	[tilespmem:s16+$0x0] =	vst v0  }
0x29: {  	v0 =	vld [tilespmem:s15+$0x10];
	_ =	sdelay $0x7  }
0x2a: {  	v0 =	vld.idx.msk [tilespmem:v0+s2+$0x0], $0xffff;
	_ =	sdelay $0x4  }
0x2b: {  	[tilespmem:s16+$0x10] =	vst v0  }
0x2c: {  	v0 =	vld [tilespmem:s15+$0x20];
	_ =	sdelay $0x7  }
0x2d: {  	v0 =	vld.idx.msk [tilespmem:v0+s2+$0x0], $0xffff;
	_ =	sdelay $0x4  }
0x2e: {  	[tilespmem:s16+$0x20] =	vst v0  }
0x2f: {  	v0 =	vld [tilespmem:s15+$0x30];
	_ =	sdelay $0x6  }
0x30: {  	s14 =	sadd.s32 $0x8, s14  }
0x31: {  	p0 =	slt.u32 s14, $0x78;
	v0 =	vld.idx.msk [tilespmem:v0+s2+$0x0], $0xffff  }
.Ltmp1:
0x32: {  	_ = 	snop;
	(pc) =	sbr.rel @p0 .LBB2_4-.Ltmp1, $2  }
0x33: {  	_ =	sdelay $0x2  }
0x34: {  	s15 =	sadd.s32 $0x80, s15;
	[tilespmem:s16+$0x30] =	vst v0;
	s16 =	sadd.s32 $0x80, s16  }
0x35: {  	s12 =	sadd.s32 $0x1, s12  }
0x36: {  	p0 =	sne.s32 s12, $0x8  }
.Ltmp2:
0x37: {  	s13 =	sadd.s32 s4, s13;
	(pc) =	sbr.rel @p0 .LBB2_3-.Ltmp2, $4  }
0x38: {  	[hbm4b:s13+s2] =	stream.linear.scatter [tilespmem:s10], [sflag:$0x1], $0x800, $0x38;
	[tilespmem:$0x196A0] =	vst v63  }
0x39: {  	_ =	swait.ge [sflag:s8], $0x800  }
0x3a: {  	[sflag:s8] =	ssyncset.done $0x0  }
0x3b: {  	[sflag:s8] =	ssyncadd.s32 $0xFFFFF800  }
0x3c: {  	s11 =	sadd.s32 $0x1, s11  }
0x3d: {  	p0 =	sne.s32 s11, s7  }
.Ltmp3:
0x3e: {  	_ = 	snop;
	(pc) =	sbr.rel @p0 .LBB2_2-.Ltmp3, $1  }
0x3f: {  	_ =	sdelay $0x3  }
.LBB2_7:
0x40: {  	_ =	sfence.sel $0x180000  }
0x41: {  	[bflag:$0x0] =	sbarrier.arrive $0xFFFF  }
0x42: {  	p0 =	sne.s32 s1, $0x0;
	_ =	strace $0x90000047  }
0x43: {  	s0 =	sadd.s32 @!p0 $0x100000, s0;
	[bflag:$0x2] =	sbarrier.arrive $0xFFFF  }
0x44: {  	[sflag:s0] =	ssyncadd.tile.s32 @!p0 $0x1;
	_ =	shalt  }
.Lfunc_end2:
_tile_overlayer_lowered:
.L_overlay_start_2:
0x45: {  	(tag) =	ssettag $0x2  }
0x46: {  	s0 =	rddreg [dreg:$0x0];
	s2 =	stileid.u32  }
0x47: {  	s1 =	rddreg [dreg:$0x1];
	p0 =	sne.s32 s2, $0x0  }
0x48: {  	s3 =	rddreg [dreg:$0x2];
	[bflag:$0x3] =	sbarrier.arrive $0xFFFF;
	s2 =	simm.s32 @!p0 $0x1C01  }
0x49: {  	[timem:s3], [sflag:s2] =	dma.local @!p0 [hbm:s0], s1  }
0x4a: {  	s0 =	simm.s32 @!p0 $0x1  }
0x4b: {  	_ =	swait.ge @!p0 [sflag:s0], s1  }
0x4c: {  	s1 =	ssub.s32 @!p0 $0x0, s1;
	[sflag:s0] =	ssyncset.done @!p0 $0x0  }
0x4d: {  	[sflag:s0] =	ssyncadd.s32 @!p0 s1  }
0x4e: {  	[bflag:$0x3] =	sbarrier.arrive $0xFFFF  }
0x4f: {  	_ =	shalt  }

</sc_bundles>
